<compile_context>
chip_gen: v7x
topology: tpu7x:2x2x1
jax: 0.10.2.dev20260603
libtpu: 0.0.44.dev20260713+nightly
codegen_flags: <defaults>
</compile_context>

<pallas_src>
import functools

import jax
import jax.numpy as jnp
from jax import lax
from jax.experimental import pallas as pl
from jax.experimental.pallas import tpu as pltpu
from jax.experimental.pallas import tpu_sc as plsc

_BETA = 0.25
_TILE = 1024


def _split3(x):
    hi = x.astype(jnp.bfloat16).astype(jnp.float32)
    r = x - hi
    mid = r.astype(jnp.bfloat16).astype(jnp.float32)
    return hi, mid, r - mid


def _vq_body(z_ref, cb_ref, w_ref, idx_ref, eff_ref, a_ref):
    i = pl.program_id(0)

    @pl.when(i == 0)
    def _init():
        eff = jax.lax.dot_general(
            cb_ref[...], w_ref[...], (((1,), (1,)), ((), ())),
            preferred_element_type=jnp.float32,
            precision=jax.lax.Precision.DEFAULT)
        eff_ref[:, 0:eff.shape[1]] = eff
        effT = jnp.swapaxes(eff, 0, 1)
        k = effT.shape[1]
        c2 = jnp.sum(effT * effT, axis=0, keepdims=True)
        c2h, c2m, c2l = _split3(c2)
        a_ref[...] = jnp.concatenate(
            [-2.0 * effT, jnp.ones((3, k), jnp.float32), c2h, c2m, c2l],
            axis=0)

    z = z_ref[0]
    z2 = jnp.sum(z * z, axis=1, keepdims=True)
    z2h, z2m, z2l = _split3(z2)
    ones = jnp.ones((z.shape[0], 3), jnp.float32)
    z_aug = jnp.concatenate([z, z2h, z2m, z2l, ones], axis=1)
    d2 = jax.lax.dot_general(
        z_aug, a_ref[...], (((1,), (0,)), ((), ())),
        preferred_element_type=jnp.float32,
        precision=jax.lax.Precision.DEFAULT)
    idx_ref[i, 0, :] = jnp.argmin(d2, axis=1).astype(jnp.int32)


def _distance_argmin(z_e, cb, W):
    B, T, D = z_e.shape
    N = B * T
    K = cb.shape[0]
    n_steps = N // _TILE
    t_per = T // _TILE
    return pl.pallas_call(
        _vq_body,
        grid=(n_steps,),
        in_specs=[
            pl.BlockSpec((1, _TILE, D), lambda i: (i // t_per, i % t_per, 0)),
            pl.BlockSpec((K, D), lambda i: (0, 0)),
            pl.BlockSpec((D, D), lambda i: (0, 0)),
        ],
        out_specs=[
            pl.BlockSpec((n_steps, 1, _TILE), lambda i: (0, 0, 0)),
            pl.BlockSpec((K, 128), lambda i: (0, 0)),
        ],
        out_shape=[
            jax.ShapeDtypeStruct((n_steps, 1, _TILE), jnp.int32),
            jax.ShapeDtypeStruct((K, 128), jnp.float32),
        ],
        scratch_shapes=[
            pltpu.VMEM((D + 6, K), jnp.float32),
        ],
    )(z_e, cb, W)


def _epilogue_body(z_ref, zq_pad_ref, idx_ref, zq_ref, loss_ref, ci_ref,
                   *, inv_nd):
    z = z_ref[...]
    b, t, d = z.shape
    zq = zq_pad_ref[:, 0:d].reshape(b, t, d)
    zq_ref[...] = zq
    diff = z - zq
    loss_ref[...] = (jnp.sum(diff * diff) * ((1.0 + _BETA) * inv_nd)
                     ).reshape(1, 1)
    ci_ref[...] = idx_ref[...].reshape(b, t)


def _slice_and_loss(z_e, zq_pad, idx3):
    B, T, D = z_e.shape
    body = functools.partial(_epilogue_body, inv_nd=1.0 / (B * T * D))
    return pl.pallas_call(
        body,
        out_shape=[
            jax.ShapeDtypeStruct((B, T, D), jnp.float32),
            jax.ShapeDtypeStruct((1, 1), jnp.float32),
            jax.ShapeDtypeStruct((B, T), jnp.int32),
        ],
    )(z_e, zq_pad, idx3)


def _sc_gather(eff, idx3):
    K, D = eff.shape
    n_steps, _, tile = idx3.shape
    N = n_steps * tile
    info = plsc.get_sparse_core_info()
    nw = info.num_cores * info.num_subcores
    per_w = N // nw
    w_per_step = tile // per_w
    mesh = plsc.VectorSubcoreMesh(core_axis_name="c", subcore_axis_name="s")

    @functools.partial(
        pl.kernel, mesh=mesh,
        out_type=jax.ShapeDtypeStruct((N, D), jnp.float32),
        scratch_types=[
            pltpu.VMEM((per_w,), jnp.int32),
            pltpu.VMEM((per_w, D), jnp.float32),
            pltpu.SemaphoreType.DMA,
        ],
    )
    def gather(table_hbm, idx_hbm, out_hbm, idx_v, rows_v, sem):
        wid = lax.axis_index("s") * info.num_cores + lax.axis_index("c")
        step = wid // w_per_step
        col = (wid % w_per_step) * per_w
        pltpu.sync_copy(idx_hbm.at[step, 0, pl.ds(col, per_w)], idx_v)
        pltpu.async_copy(table_hbm.at[idx_v], rows_v, sem).wait()
        pltpu.sync_copy(rows_v, out_hbm.at[pl.ds(wid * per_w, per_w)])

    return gather(eff, idx3)


def kernel(z_e, codebook, W):
    idx3, eff_pad = _distance_argmin(z_e, codebook, W)
    zq_pad = _sc_gather(eff_pad, idx3)
    z_q, loss, code_indices = _slice_and_loss(z_e, zq_pad, idx3)
    return z_q, loss[0, 0], code_indices

# --- scband reference (transcript-rebuilt; emitter-appended) ---
"""Pipeline reference for scband-sim-vq-43937515438691 (READ-ONLY COPY).

The authoritative reference and input builder live on the scoring server;
editing this copy changes nothing except your own understanding.
"""

import jax, jax.numpy as jnp
import numpy as np

NUM_CODES = 8192
EMBED_DIM = 32
BETA = 0.25


def setup_inputs(seed: int = 0) -> dict:
    key = jax.random.key(seed)
    k1, k2, k3 = jax.random.split(key, 3)
    z_e = jax.random.normal(k1, (8, 1024, EMBED_DIM), dtype=jnp.float32)
    # frozen codebook, init normal_(std=1) like nn.init.normal_
    codebook = jax.random.normal(k2, (NUM_CODES, EMBED_DIM), dtype=jnp.float32)
    # latent_basis: nn.Linear(D, D, bias=False), kaiming-uniform-ish init
    bound = 1.0 / np.sqrt(EMBED_DIM)
    W = jax.random.uniform(k3, (EMBED_DIM, EMBED_DIM), dtype=jnp.float32, minval=-bound, maxval=bound)
    return {"z_e": z_e, "codebook": codebook, "W": W}


def reference(z_e, codebook, W):
    B, T, D = z_e.shape
    z_flat = z_e.reshape(-1, D)
    # effective codebook: latent_basis(codebook.weight) = codebook @ W.T
    eff = codebook @ W.T
    # torch.cdist(p=2): euclidean distance matrix
    d2 = (
        jnp.sum(z_flat * z_flat, axis=1, keepdims=True)
        - 2.0 * (z_flat @ eff.T)
        + jnp.sum(eff * eff, axis=1)[None, :]
    )
    distances = jnp.sqrt(jnp.maximum(d2, 0.0))
    code_indices = jnp.argmin(distances, axis=1)
    z_q_raw = jnp.take(eff, code_indices, axis=0).reshape(z_e.shape)
    loss_w = jnp.mean((jax.lax.stop_gradient(z_e) - z_q_raw) ** 2)
    loss_commit = BETA * jnp.mean((z_e - jax.lax.stop_gradient(z_q_raw)) ** 2)
    total_loss = loss_w + loss_commit
    # straight-through estimator
    z_q = z_e + jax.lax.stop_gradient(z_q_raw - z_e)
    return z_q, total_loss, code_indices.reshape(B, T)

if __name__ == "__main__":
    import jax
    _d = setup_inputs()
    print(jax.jit(kernel)(*tuple(_d.values())))

</pallas_src>

<mosaic_0001>
#map = affine_map<(d0, d1) -> (0, 0)>
#map1 = affine_map<(d0, d1) -> (0, 0, 0)>
module attributes {stable_mosaic.version = 14 : i64} {
  func.func @gather(%arg0: i32, %arg1: i32, %arg2: memref<8192x128xf32, #tpu.memory_space<hbm>>, %arg3: memref<8x1x1024xi32, #tpu.memory_space<hbm>>, %arg4: memref<8192x128xf32, #tpu.memory_space<hbm>>, %arg5: memref<256xi32, #tpu.memory_space<vmem>>, %arg6: memref<256x128xf32, #tpu.memory_space<vmem>>, %arg7: memref<!tpu.dma_semaphore, #tpu.memory_space<semaphore_mem>>) attributes {dimension_semantics = [#tpu.dimension_semantics<core_parallel>, #tpu.dimension_semantics<subcore_parallel>], iteration_bounds = array<i64: 2, 16>, scalar_prefetch = 0 : i64, scratch_operands = 3 : i64, tpu.core_type = #tpu.core_type<sc_vector_subcore>, window_params = [{transform_indices = #map}, {transform_indices = #map1}, {transform_indices = #map}]} {
    %mul3A = arith.constant 2 : i32
    %mul3A_0 = arith.muli %arg1, %mul3A : i32
    %add3A = arith.addi %mul3A_0, %arg0 : i32
    %jit3A = arith.constant 4 : i32
    %div3A = arith.divsi %add3A, %jit3A : i32
    %sign3A = arith.constant 0 : i32
    %sign3A_1 = arith.cmpi sgt, %add3A, %sign3A : i32
    %sign3A_2 = arith.extui %sign3A_1 : i1 to i32
    %sign3A_3 = arith.constant 0 : i32
    %sign3A_4 = arith.cmpi slt, %add3A, %sign3A_3 : i32
    %sign3A_5 = arith.extui %sign3A_4 : i1 to i32
    %sign3A_6 = arith.subi %sign3A_2, %sign3A_5 : i32
    %sign3A_7 = arith.constant 0 : i32
    %sign3A_8 = arith.cmpi sgt, %jit3A, %sign3A_7 : i32
    %sign3A_9 = arith.extui %sign3A_8 : i1 to i32
    %sign3A_10 = arith.constant 0 : i32
    %sign3A_11 = arith.cmpi slt, %jit3A, %sign3A_10 : i32
    %sign3A_12 = arith.extui %sign3A_11 : i1 to i32
    %sign3A_13 = arith.subi %sign3A_9, %sign3A_12 : i32
    %ne3A = arith.cmpi ne, %sign3A_6, %sign3A_13 : i32
    %rem3A = arith.remsi %add3A, %jit3A : i32
    %ne3A_14 = arith.constant 0 : i32
    %ne3A_15 = arith.cmpi ne, %rem3A, %ne3A_14 : i32
    %and3A = arith.andi %ne3A, %ne3A_15 : i1
    %sub3A = arith.constant 1 : i32
    %sub3A_16 = arith.subi %div3A, %sub3A : i32
    %select_n3A = arith.select %and3A, %sub3A_16, %div3A : i32
    %jit3A_17 = arith.constant 4 : i32
    %eq3A = arith.constant 0 : i32
    %eq3A_18 = arith.cmpi eq, %jit3A_17, %eq3A : i32
    %jit3A_19 = arith.constant 1 : i32
    %select_n3A_20 = arith.select %eq3A_18, %jit3A_19, %jit3A_17 : i32
    %rem3A_21 = arith.remsi %add3A, %select_n3A_20 : i32
    %ne3A_22 = arith.constant 0 : i32
    %ne3A_23 = arith.cmpi ne, %rem3A_21, %ne3A_22 : i32
    %lt3A = arith.constant 0 : i32
    %lt3A_24 = arith.cmpi slt, %rem3A_21, %lt3A : i32
    %lt3A_25 = arith.constant 0 : i32
    %lt3A_26 = arith.cmpi slt, %select_n3A_20, %lt3A_25 : i32
    %ne3A_27 = arith.xori %lt3A_24, %lt3A_26 : i1
    %and3A_28 = arith.andi %ne3A_27, %ne3A_23 : i1
    %add3A_29 = arith.addi %rem3A_21, %select_n3A_20 : i32
    %select_n3A_30 = arith.select %and3A_28, %add3A_29, %rem3A_21 : i32
    %mul3A_31 = arith.constant 256 : i32
    %mul3A_32 = arith.muli %select_n3A_30, %mul3A_31 : i32
    %run_scoped3A = arith.constant 0 : i32
    "tpu.region"() ({
      %run_scoped3A_39 = tpu.sem_alloc : memref<!tpu.dma_semaphore, #tpu.memory_space<semaphore_mem>>
      %dma_start3A_40 = tpu.memref_slice %arg3[%select_n3A, %run_scoped3A, %mul3A_32] : memref<8x1x1024xi32, #tpu.memory_space<hbm>> -> memref<1x1x256xi32, #tpu.memory_space<hbm>>
      %dma_start3A_41 = tpu.memref_squeeze %dma_start3A_40 : memref<1x1x256xi32, #tpu.memory_space<hbm>> -> memref<256xi32, #tpu.memory_space<hbm>>
      %dma_start3A_42 = tpu.memref_slice %arg3[%select_n3A, %run_scoped3A, %mul3A_32] : memref<8x1x1024xi32, #tpu.memory_space<hbm>> -> memref<1x1x256xi32, #tpu.memory_space<hbm>>
      %dma_start3A_43 = tpu.memref_squeeze %dma_start3A_42 : memref<1x1x256xi32, #tpu.memory_space<hbm>> -> memref<256xi32, #tpu.memory_space<hbm>>
      tpu.enqueue_dma source(%dma_start3A_43 : memref<256xi32, #tpu.memory_space<hbm>>) target(%arg5 : memref<256xi32, #tpu.memory_space<vmem>>) target_semaphore(%run_scoped3A_39 : memref<!tpu.dma_semaphore, #tpu.memory_space<semaphore_mem>>)
      %dma_wait3A_44 = tpu.memref_slice %arg3[%select_n3A, %run_scoped3A, %mul3A_32] : memref<8x1x1024xi32, #tpu.memory_space<hbm>> -> memref<1x1x256xi32, #tpu.memory_space<hbm>>
      %dma_wait3A_45 = tpu.memref_squeeze %dma_wait3A_44 : memref<1x1x256xi32, #tpu.memory_space<hbm>> -> memref<256xi32, #tpu.memory_space<hbm>>
      %dma_wait3A_46 = tpu.memref_slice %arg3[%select_n3A, %run_scoped3A, %mul3A_32] : memref<8x1x1024xi32, #tpu.memory_space<hbm>> -> memref<1x1x256xi32, #tpu.memory_space<hbm>>
      %dma_wait3A_47 = tpu.memref_squeeze %dma_wait3A_46 : memref<1x1x256xi32, #tpu.memory_space<hbm>> -> memref<256xi32, #tpu.memory_space<hbm>>
      tpu.wait_dma2 semaphore(%run_scoped3A_39 : memref<!tpu.dma_semaphore, #tpu.memory_space<semaphore_mem>>) src(%dma_wait3A_47 : memref<256xi32, #tpu.memory_space<hbm>>) dst(%arg5 : memref<256xi32, #tpu.memory_space<vmem>>)
      tpu.yield
    }) : () -> ()
    %dma_start3A = arith.constant 0 : i32
    %dma_start3A_33 = arith.constant 0 : i32
    %dma_start3A_34 = tpu.memref_slice %arg2[%dma_start3A, %dma_start3A_33] : memref<8192x128xf32, #tpu.memory_space<hbm>> -> memref<8192x128xf32, #tpu.memory_space<hbm>>
    tpu.enqueue_indirect_dma source(%dma_start3A_34 : memref<8192x128xf32, #tpu.memory_space<hbm>>) target(%arg6 : memref<256x128xf32, #tpu.memory_space<vmem>>) offsets(%arg5 : memref<256xi32, #tpu.memory_space<vmem>>) semaphore(%arg7 : memref<!tpu.dma_semaphore, #tpu.memory_space<semaphore_mem>>)
    %dma_wait3A = arith.constant 0 : i32
    %dma_wait3A_35 = arith.constant 0 : i32
    %dma_wait3A_36 = tpu.memref_slice %arg2[%dma_wait3A, %dma_wait3A_35] : memref<8192x128xf32, #tpu.memory_space<hbm>> -> memref<8192x128xf32, #tpu.memory_space<hbm>>
    tpu.wait_indirect_dma semaphore(%arg7 : memref<!tpu.dma_semaphore, #tpu.memory_space<semaphore_mem>>) src(%dma_wait3A_36 : memref<8192x128xf32, #tpu.memory_space<hbm>>) dst(%arg6 : memref<256x128xf32, #tpu.memory_space<vmem>>)
    %mul3A_37 = arith.constant 256 : i32
    %mul3A_38 = arith.muli %add3A, %mul3A_37 : i32
    "tpu.region"() ({
      %run_scoped3A_39 = tpu.sem_alloc : memref<!tpu.dma_semaphore, #tpu.memory_space<semaphore_mem>>
      %dma_start3A_40 = arith.constant 0 : i32
      %dma_start3A_41 = tpu.memref_slice %arg4[%mul3A_38, %dma_start3A_40] : memref<8192x128xf32, #tpu.memory_space<hbm>> -> memref<256x128xf32, #tpu.memory_space<hbm>>
      %dma_start3A_42 = arith.constant 0 : i32
      %dma_start3A_43 = tpu.memref_slice %arg4[%mul3A_38, %dma_start3A_42] : memref<8192x128xf32, #tpu.memory_space<hbm>> -> memref<256x128xf32, #tpu.memory_space<hbm>>
      tpu.enqueue_dma source(%arg6 : memref<256x128xf32, #tpu.memory_space<vmem>>) target(%dma_start3A_43 : memref<256x128xf32, #tpu.memory_space<hbm>>) target_semaphore(%run_scoped3A_39 : memref<!tpu.dma_semaphore, #tpu.memory_space<semaphore_mem>>)
      %dma_wait3A_44 = arith.constant 0 : i32
      %dma_wait3A_45 = tpu.memref_slice %arg4[%mul3A_38, %dma_wait3A_44] : memref<8192x128xf32, #tpu.memory_space<hbm>> -> memref<256x128xf32, #tpu.memory_space<hbm>>
      %dma_wait3A_46 = arith.constant 0 : i32
      %dma_wait3A_47 = tpu.memref_slice %arg4[%mul3A_38, %dma_wait3A_46] : memref<8192x128xf32, #tpu.memory_space<hbm>> -> memref<256x128xf32, #tpu.memory_space<hbm>>
      tpu.wait_dma2 semaphore(%run_scoped3A_39 : memref<!tpu.dma_semaphore, #tpu.memory_space<semaphore_mem>>) src(%arg6 : memref<256x128xf32, #tpu.memory_space<vmem>>) dst(%dma_wait3A_47 : memref<256x128xf32, #tpu.memory_space<hbm>>)
      tpu.yield
    }) : () -> ()
    return
  }
}

module attributes {stable_mosaic.version = 14 : i64} {
  func.func @_epilogue_body(%arg0: memref<8x1024x32xf32, #tpu.memory_space<vmem>>, %arg1: memref<8192x128xf32, #tpu.memory_space<vmem>>, %arg2: memref<8x1x1024xi32, #tpu.memory_space<vmem>>, %arg3: memref<8x1024x32xf32, #tpu.memory_space<vmem>>, %arg4: memref<1x1xf32, #tpu.memory_space<vmem>>, %arg5: memref<8x1024xi32, #tpu.memory_space<vmem>>) attributes {dimension_semantics = [], scalar_prefetch = 0 : i64, scratch_operands = 0 : i64, tpu.core_type = #tpu.core_type<tc>} {
    %get3A = arith.constant 0 : index
    %get3A_0 = arith.constant 0 : index
    %get3A_1 = arith.constant 0 : index
    %get3A_2 = vector.load %arg0[%get3A, %get3A_0, %get3A_1] : memref<8x1024x32xf32, #tpu.memory_space<vmem>>, vector<8x1024x32xf32>
    %get3A_3 = arith.constant 0 : index
    %get3A_4 = arith.constant 0 : index
    %get3A_5 = vector.load %arg1[%get3A_3, %get3A_4] : memref<8192x128xf32, #tpu.memory_space<vmem>>, vector<8192x32xf32>
    %reshape3A = vector.shape_cast %get3A_5 : vector<8192x32xf32> to vector<8x1024x32xf32>
    %swap3A = arith.constant 0 : index
    %swap3A_6 = arith.constant 0 : index
    %swap3A_7 = arith.constant 0 : index
    %swap3A_8 = vector.load %arg3[%swap3A, %swap3A_6, %swap3A_7] : memref<8x1024x32xf32, #tpu.memory_space<vmem>>, vector<8x1024x32xf32>
    tpu.vector_store %arg3[%swap3A, %swap3A_6, %swap3A_7], %reshape3A {strides = array<i32>} : memref<8x1024x32xf32, #tpu.memory_space<vmem>>, vector<8x1024x32xf32>,
    %sub3A = arith.subf %get3A_2, %reshape3A : vector<8x1024x32xf32>
    %mul3A = arith.mulf %sub3A, %sub3A : vector<8x1024x32xf32>
    %reduce_sum3A = vector.shape_cast %mul3A : vector<8x1024x32xf32> to vector<1x8x1024x32xf32>
    %reduce_sum3A_9 = arith.constant dense<0.000000e+00> : vector<1xf32>
    %reduce_sum3A_10 = vector.multi_reduction <add>, %reduce_sum3A, %reduce_sum3A_9 [1, 2, 3] : vector<1x8x1024x32xf32> to vector<1xf32>
    %reduce_sum3A_11 = vector.shape_cast %reduce_sum3A_10 : vector<1xf32> to vector<1x1x1x1xf32>
    %reduce_sum3A_12 = vector.extract %reduce_sum3A_11[0, 0, 0, 0] : f32 from vector<1x1x1x1xf32>
    %mul3A_13 = arith.constant 4.76837158E-6 : f32
    %mul3A_14 = arith.mulf %reduce_sum3A_12, %mul3A_13 : f32
    %reshape3A_15 = vector.broadcast %mul3A_14 : f32 to vector<1x1xf32>
    %swap3A_16 = arith.constant 0 : index
    %swap3A_17 = arith.constant 0 : index
    %swap3A_18 = vector.load %arg4[%swap3A_16, %swap3A_17] : memref<1x1xf32, #tpu.memory_space<vmem>>, vector<1x1xf32>
    tpu.vector_store %arg4[%swap3A_16, %swap3A_17], %reshape3A_15 {strides = array<i32>} : memref<1x1xf32, #tpu.memory_space<vmem>>, vector<1x1xf32>,
    %get3A_19 = arith.constant 0 : index
    %get3A_20 = arith.constant 0 : index
    %get3A_21 = arith.constant 0 : index
    %get3A_22 = vector.load %arg2[%get3A_19, %get3A_20, %get3A_21] : memref<8x1x1024xi32, #tpu.memory_space<vmem>>, vector<8x1x1024xi32>
    %reshape3A_23 = vector.shape_cast %get3A_22 : vector<8x1x1024xi32> to vector<8x1024xi32>
    %swap3A_24 = arith.constant 0 : index
    %swap3A_25 = arith.constant 0 : index
    %swap3A_26 = vector.load %arg5[%swap3A_24, %swap3A_25] : memref<8x1024xi32, #tpu.memory_space<vmem>>, vector<8x1024xi32>
    tpu.vector_store %arg5[%swap3A_24, %swap3A_25], %reshape3A_23 {strides = array<i32>} : memref<8x1024xi32, #tpu.memory_space<vmem>>, vector<8x1024xi32>,
    return
  }
}

module attributes {stable_mosaic.version = 14 : i64} {
  func.func @_vq_body(%arg0: i32, %arg1: memref<1x1024x32xf32, #tpu.memory_space<vmem>>, %arg2: memref<8192x32xf32, #tpu.memory_space<vmem>>, %arg3: memref<32x32xf32, #tpu.memory_space<vmem>>, %arg4: memref<8x1x1024xi32, #tpu.memory_space<vmem>>, %arg5: memref<8192x128xf32, #tpu.memory_space<vmem>>, %arg6: memref<38x8192xf32, #tpu.memory_space<vmem>>) attributes {dimension_semantics = [#tpu.dimension_semantics<arbitrary>], iteration_bounds = array<i64: 8>, scalar_prefetch = 0 : i64, scratch_operands = 1 : i64, tpu.core_type = #tpu.core_type<tc>, window_params = [{transform_indices = @transform_0, window_bounds = array<i64: 1, 1024, 32>}, {pipeline_mode = #tpu.pipeline_mode<synchronous>, transform_indices = @transform_1, window_bounds = array<i64: 8192, 32>}, {pipeline_mode = #tpu.pipeline_mode<synchronous>, transform_indices = @transform_2, window_bounds = array<i64: 32, 32>}, {pipeline_mode = #tpu.pipeline_mode<synchronous>, transform_indices = @transform_3, window_bounds = array<i64: 8, 1, 1024>}, {pipeline_mode = #tpu.pipeline_mode<synchronous>, transform_indices = @transform_4, window_bounds = array<i64: 8192, 128>}]} {
    %eq3A = arith.constant 0 : i32
    %eq3A_0 = arith.cmpi eq, %arg0, %eq3A : i32
    %convert_element_type3A = arith.extui %eq3A_0 : i1 to i32
    %cond3A = arith.constant 0 : i32
    %cond3A_1 = arith.cmpi ne, %convert_element_type3A, %cond3A : i32
    scf.if %cond3A_1 {
      %get3A_23 = arith.constant 0 : index
      %get3A_24 = arith.constant 0 : index
      %get3A_25 = vector.load %arg2[%get3A_23, %get3A_24] : memref<8192x32xf32, #tpu.memory_space<vmem>>, vector<8192x32xf32>
      %get3A_26 = arith.constant 0 : index
      %get3A_27 = arith.constant 0 : index
      %get3A_28 = vector.load %arg3[%get3A_26, %get3A_27] : memref<32x32xf32, #tpu.memory_space<vmem>>, vector<32x32xf32>
      %dot_general3A_29 = arith.constant dense<0.000000e+00> : vector<8192x32xf32>
      %dot_general3A_30 = tpu.matmul %get3A_25, %get3A_28, %dot_general3A_29 {dimension_numbers = #tpu.dot_dimension_numbers<[1], [1], [0], [0], [0, 0, 1, 0], [], []>, transpose_lhs_hint = false} : vector<8192x32xf32>, vector<32x32xf32>, vector<8192x32xf32> -> vector<8192x32xf32>
      %swap3A_31 = arith.constant 0 : index
      %swap3A_32 = arith.constant 0 : index
      %swap3A_33 = vector.load %arg5[%swap3A_31, %swap3A_32] : memref<8192x128xf32, #tpu.memory_space<vmem>>, vector<8192x32xf32>
      tpu.vector_store %arg5[%swap3A_31, %swap3A_32], %dot_general3A_30 {strides = array<i32>} : memref<8192x128xf32, #tpu.memory_space<vmem>>, vector<8192x32xf32>,
      %transpose3A = tpu.transpose %dot_general3A_30, [1, 0] : vector<8192x32xf32> -> vector<32x8192xf32>
      %mul3A_34 = arith.mulf %transpose3A, %transpose3A : vector<32x8192xf32>
      %reduce_sum3A_35 = arith.constant dense<0.000000e+00> : vector<8192xf32>
      %reduce_sum3A_36 = vector.multi_reduction <add>, %mul3A_34, %reduce_sum3A_35 [0] : vector<32x8192xf32> to vector<8192xf32>
      %broadcast_in_dim3A_37 = vector.shape_cast %reduce_sum3A_36 : vector<8192xf32> to vector<1x8192xf32>
      %convert_element_type3A_38 = arith.truncf %broadcast_in_dim3A_37 : vector<1x8192xf32> to vector<1x8192xbf16>
      %convert_element_type3A_39 = arith.extf %convert_element_type3A_38 : vector<1x8192xbf16> to vector<1x8192xf32>
      %sub3A_40 = arith.subf %broadcast_in_dim3A_37, %convert_element_type3A_39 : vector<1x8192xf32>
      %convert_element_type3A_41 = arith.truncf %sub3A_40 : vector<1x8192xf32> to vector<1x8192xbf16>
      %convert_element_type3A_42 = arith.extf %convert_element_type3A_41 : vector<1x8192xbf16> to vector<1x8192xf32>
      %sub3A_43 = arith.subf %sub3A_40, %convert_element_type3A_42 : vector<1x8192xf32>
      %mul3A_44 = arith.constant -2.000000e+00 : f32
      %mul3A_45 = vector.broadcast %mul3A_44 : f32 to vector<32x8192xf32>
      %mul3A_46 = arith.mulf %mul3A_45, %transpose3A : vector<32x8192xf32>
      %broadcast_in_dim3A_47 = arith.constant 1.000000e+00 : f32
      %broadcast_in_dim3A_48 = vector.broadcast %broadcast_in_dim3A_47 : f32 to vector<3x8192xf32>
      %concatenate3A_49 = tpu.concatenate %mul3A_46, %broadcast_in_dim3A_48, %convert_element_type3A_39, %convert_element_type3A_42, %sub3A_43 in 0 : vector<32x8192xf32>, vector<3x8192xf32>, vector<1x8192xf32>, vector<1x8192xf32>, vector<1x8192xf32> -> vector<38x8192xf32>
      %swap3A_50 = arith.constant 0 : index
      %swap3A_51 = arith.constant 0 : index
      %swap3A_52 = vector.load %arg6[%swap3A_50, %swap3A_51] : memref<38x8192xf32, #tpu.memory_space<vmem>>, vector<38x8192xf32>
      tpu.vector_store %arg6[%swap3A_50, %swap3A_51], %concatenate3A_49 {strides = array<i32>} : memref<38x8192xf32, #tpu.memory_space<vmem>>, vector<38x8192xf32>,
    } else {
    }
    %get3A = arith.constant 0 : index
    %get3A_2 = arith.constant 0 : index
    %get3A_3 = arith.constant 0 : index
    %get3A_4 = vector.load %arg1[%get3A, %get3A_2, %get3A_3] : memref<1x1024x32xf32, #tpu.memory_space<vmem>>, vector<1x1024x32xf32>
    %get3A_5 = vector.shape_cast %get3A_4 : vector<1x1024x32xf32> to vector<1024x32xf32>
    %mul3A = arith.mulf %get3A_5, %get3A_5 : vector<1024x32xf32>
    %reduce_sum3A = arith.constant dense<0.000000e+00> : vector<1024xf32>
    %reduce_sum3A_6 = vector.multi_reduction <add>, %mul3A, %reduce_sum3A [1] : vector<1024x32xf32> to vector<1024xf32>
    %broadcast_in_dim3A = vector.shape_cast %reduce_sum3A_6 : vector<1024xf32> to vector<1024x1xf32>
    %convert_element_type3A_7 = arith.truncf %broadcast_in_dim3A : vector<1024x1xf32> to vector<1024x1xbf16>
    %convert_element_type3A_8 = arith.extf %convert_element_type3A_7 : vector<1024x1xbf16> to vector<1024x1xf32>
    %sub3A = arith.subf %broadcast_in_dim3A, %convert_element_type3A_8 : vector<1024x1xf32>
    %convert_element_type3A_9 = arith.truncf %sub3A : vector<1024x1xf32> to vector<1024x1xbf16>
    %convert_element_type3A_10 = arith.extf %convert_element_type3A_9 : vector<1024x1xbf16> to vector<1024x1xf32>
    %sub3A_11 = arith.subf %sub3A, %convert_element_type3A_10 : vector<1024x1xf32>
    %broadcast_in_dim3A_12 = arith.constant 1.000000e+00 : f32
    %broadcast_in_dim3A_13 = vector.broadcast %broadcast_in_dim3A_12 : f32 to vector<1024x3xf32>
    %concatenate3A = tpu.concatenate %get3A_5, %convert_element_type3A_8, %convert_element_type3A_10, %sub3A_11, %broadcast_in_dim3A_13 in 1 : vector<1024x32xf32>, vector<1024x1xf32>, vector<1024x1xf32>, vector<1024x1xf32>, vector<1024x3xf32> -> vector<1024x38xf32>
    %get3A_14 = arith.constant 0 : index
    %get3A_15 = arith.constant 0 : index
    %get3A_16 = vector.load %arg6[%get3A_14, %get3A_15] : memref<38x8192xf32, #tpu.memory_space<vmem>>, vector<38x8192xf32>
    %dot_general3A = arith.constant dense<0.000000e+00> : vector<1024x8192xf32>
    %dot_general3A_17 = tpu.matmul %concatenate3A, %get3A_16, %dot_general3A {dimension_numbers = #tpu.dot_dimension_numbers<[1], [0], [0], [1], [0, 0, 1, 1], [], []>, transpose_lhs_hint = false} : vector<1024x38xf32>, vector<38x8192xf32>, vector<1024x8192xf32> -> vector<1024x8192xf32>
    %argmin3A = tpu.reduce_index %dot_general3A_17 {axis = 1 : i32, kind = #tpu.reduction_kind<arg_min>} : vector<1024x8192xf32> -> vector<1024xi32>
    %swap3A = arith.index_cast %arg0 : i32 to index
    %swap3A_18 = arith.constant 0 : index
    %swap3A_19 = arith.constant 0 : index
    %swap3A_20 = vector.load %arg4[%swap3A, %swap3A_18, %swap3A_19] : memref<8x1x1024xi32, #tpu.memory_space<vmem>>, vector<1x1x1024xi32>
    %swap3A_21 = vector.shape_cast %swap3A_20 : vector<1x1x1024xi32> to vector<1024xi32>
    %swap3A_22 = vector.shape_cast %argmin3A : vector<1024xi32> to vector<1x1x1024xi32>
    tpu.vector_store %arg4[%swap3A, %swap3A_18, %swap3A_19], %swap3A_22 {strides = array<i32>} : memref<8x1x1024xi32, #tpu.memory_space<vmem>>, vector<1x1x1024xi32>,
    return
  }
  func.func @transform_0(%arg0: i32) -> (i32, i32, i32) {
    %jit3A = arith.constant 1 : i32
    %div3A = arith.divsi %arg0, %jit3A : i32
    %sign3A = arith.constant 0 : i32
    %sign3A_0 = arith.cmpi sgt, %arg0, %sign3A : i32
    %sign3A_1 = arith.extui %sign3A_0 : i1 to i32
    %sign3A_2 = arith.constant 0 : i32
    %sign3A_3 = arith.cmpi slt, %arg0, %sign3A_2 : i32
    %sign3A_4 = arith.extui %sign3A_3 : i1 to i32
    %sign3A_5 = arith.subi %sign3A_1, %sign3A_4 : i32
    %sign3A_6 = arith.constant 0 : i32
    %sign3A_7 = arith.cmpi sgt, %jit3A, %sign3A_6 : i32
    %sign3A_8 = arith.extui %sign3A_7 : i1 to i32
    %sign3A_9 = arith.constant 0 : i32
    %sign3A_10 = arith.cmpi slt, %jit3A, %sign3A_9 : i32
    %sign3A_11 = arith.extui %sign3A_10 : i1 to i32
    %sign3A_12 = arith.subi %sign3A_8, %sign3A_11 : i32
    %ne3A = arith.cmpi ne, %sign3A_5, %sign3A_12 : i32
    %rem3A = arith.remsi %arg0, %jit3A : i32
    %ne3A_13 = arith.constant 0 : i32
    %ne3A_14 = arith.cmpi ne, %rem3A, %ne3A_13 : i32
    %and3A = arith.andi %ne3A, %ne3A_14 : i1
    %sub3A = arith.constant 1 : i32
    %sub3A_15 = arith.subi %div3A, %sub3A : i32
    %select_n3A = arith.select %and3A, %sub3A_15, %div3A : i32
    %jit3A_16 = arith.constant 1 : i32
    %eq3A = arith.constant 0 : i32
    %eq3A_17 = arith.cmpi eq, %jit3A_16, %eq3A : i32
    %jit3A_18 = arith.constant 1 : i32
    %select_n3A_19 = arith.select %eq3A_17, %jit3A_18, %jit3A_16 : i32
    %rem3A_20 = arith.remsi %arg0, %select_n3A_19 : i32
    %ne3A_21 = arith.constant 0 : i32
    %ne3A_22 = arith.cmpi ne, %rem3A_20, %ne3A_21 : i32
    %lt3A = arith.constant 0 : i32
    %lt3A_23 = arith.cmpi slt, %rem3A_20, %lt3A : i32
    %lt3A_24 = arith.constant 0 : i32
    %lt3A_25 = arith.cmpi slt, %select_n3A_19, %lt3A_24 : i32
    %ne3A_26 = arith.xori %lt3A_23, %lt3A_25 : i1
    %and3A_27 = arith.andi %ne3A_26, %ne3A_22 : i1
    %add3A = arith.addi %rem3A_20, %select_n3A_19 : i32
    %select_n3A_28 = arith.select %and3A_27, %add3A, %rem3A_20 : i32
    %c0_i32 = arith.constant 0 : i32
    %c0_i32_29 = arith.constant 0 : i32
    return %select_n3A, %select_n3A_28, %c0_i32 : i32, i32, i32
  }
  func.func @transform_1(%arg0: i32) -> (i32, i32) {
    %c0_i32 = arith.constant 0 : i32
    %c0_i32_0 = arith.constant 0 : i32
    %c0_i32_1 = arith.constant 0 : i32
    return %c0_i32, %c0_i32_0 : i32, i32
  }
  func.func @transform_2(%arg0: i32) -> (i32, i32) {
    %c0_i32 = arith.constant 0 : i32
    %c0_i32_0 = arith.constant 0 : i32
    %c0_i32_1 = arith.constant 0 : i32
    return %c0_i32, %c0_i32_0 : i32, i32
  }
  func.func @transform_3(%arg0: i32) -> (i32, i32, i32) {
    %c0_i32 = arith.constant 0 : i32
    %c0_i32_0 = arith.constant 0 : i32
    %c0_i32_1 = arith.constant 0 : i32
    %c0_i32_2 = arith.constant 0 : i32
    return %c0_i32, %c0_i32_0, %c0_i32_1 : i32, i32, i32
  }
  func.func @transform_4(%arg0: i32) -> (i32, i32) {
    %c0_i32 = arith.constant 0 : i32
    %c0_i32_0 = arith.constant 0 : i32
    %c0_i32_1 = arith.constant 0 : i32
    return %c0_i32, %c0_i32_0 : i32, i32
  }
}

</mosaic_0001>

<sc_bundles>
// kernel: kernel.5.cloned.1.call-start
scs
__scs_entry_jumppad:
0x0: {  	(pc) =	sbr.rel $0x88, $3  }
0x1: {  	(tag) =	ssettag $0x0;
	lr =	simm.s32 $0x1  }
0x2: {  	[smem:$0x3F9E] =	sst lr;
	_ =	strace $0xD0000000  }
0x3: {  	_ = 	snop  }
0x4: {  	_ = 	snop  }
0x5: {  	_ = 	snop  }
0x6: {  	_ = 	snop  }
0x7: {  	_ = 	snop  }
__scs_overlays_trampoline_lowered:
0x8: {  	[smem:$0x3FAD] =	sst s0  }
0x9: {  	[smem:$0x3FAE] =	sst s1  }
0xa: {  	[smem:$0x3FAF] =	sst s2  }
0xb: {  	[smem:$0x3FB0] =	sst s3  }
0xc: {  	[smem:$0x3FB1] =	sst s4  }
0xd: {  	[smem:$0x3FB2] =	sst s5  }
0xe: {  	[smem:$0x3FB3] =	sst s6  }
0xf: {  	[smem:$0x3FB4] =	sst s7  }
0x10: {  	[smem:$0x3FB5] =	sst s8  }
0x11: {  	[smem:$0x3FB6] =	sst s9;
	s0 =	simm.s32 @!p0 $0x0  }
0x12: {  	s1 =	sld [smem:$0x3F9C];
	s0 =	simm.s32 @p0 $0x1  }
0x13: {  	[smem:$0x3FB7] =	sst s0;
	s0 =	simm.s32 @!p1 $0x0  }
0x14: {  	s2 =	sld [smem:$0x3F9B];
	s0 =	simm.s32 @p1 $0x1  }
0x15: {  	[smem:$0x3FB8] =	sst s0;
	s0 =	simm.s32 @!p2 $0x0  }
0x16: {  	s3 =	sld [smem:$0x3FDB];
	s0 =	simm.s32 @p2 $0x1  }
0x17: {  	s4 =	simm.s32 $0x1BF5;
	[smem:$0x3FBA] =	sst s0  }
0x18: {  	s0 =	sld [smem:$0x3F9D];
	_ =	swait.ge [sflag:s4], $0x0  }
0x19: {  	s7 =	sld [smem:$0x3F9E]  }
0x1a: {  	s8 =	sadd.s32 $0xFFFFE003, lr  }
0x1b: {  	s9 =	sadd.s32 $0xFFFFFEF7, lr;
	s5 =	simm.s32 $0xFFFFFFFF;
	p2 =	slt.u32 s8, $0xFFFFF086  }
0x1c: {  	p1 =	slt.u32 s9, $0xF7A;
	s5 =	simm.s32 @!p2 $0x0  }
0x1d: {  	s5 =	simm.s32 @p1 $0x1;
	p0 =	seq.s32 s7, s2  }
0x1e: {  	s7 =	smul.u32 @!p0 $0xF7A, s2;
	p2 =	seq.s32 @!p0 s5, $0x0  }
0x1f: {  	s9 =	smul.u32 $0xF7A, s1;
	s8 =	simm.s32 @!p0 $0x1BF5;
	p2 =	por !p2, p0  }
0x20: {  	[sflag:s8] =	ssyncset.s32 @!p0 $0xFFFFF086;
	s6 =	sadd.s32 @!p0 s3, s7;
	s7 =	simm.s32 @!p0 $0x108  }
0x21: {  	s3 =	sadd.s32 s3, s9;
	s6 =	sadd.s32 @!p0 $0x88, s6;
	s7 =	simm.s32 @p2 $0x1082  }
0x22: {  	[simem:s7], [sflag:s8] =	dma.local @!p0 [hbm:s6], $0xF7A  }
0x23: {  	s9 =	sor.u32 $0xD0000000, s2;
	s6 =	simm.s32 $0x108;
	_ =	swait.ge @!p0 [sflag:s8], $0x0  }
0x24: {  	s3 =	sadd.s32 $0x88, s3;
	s6 =	simm.s32 @!p1 $0x1082;
	[sflag:s4] =	ssyncset.s32 $0xFFFFF086  }
0x25: {  	[simem:s6], [sflag:s4] =	dma.local [hbm:s3], $0xF7A  }
0x26: {  	[smem:$0x3F9E] =	sst s1;
	(tag) =	ssettag s2;
	_ =	strace s9  }
0x27: {  	s1 =	sld [smem:$0x3FAE]  }
0x28: {  	s2 =	sld [smem:$0x3FAF]  }
0x29: {  	s4 =	sld [smem:$0x3FB1]  }
0x2a: {  	p0 =	seq.s32 s5, $0x0;
	s5 =	sld [smem:$0x3FB2]  }
0x2b: {  	s6 =	sld [smem:$0x3FB3]  }
0x2c: {  	s7 =	sld [smem:$0x3FB4]  }
0x2d: {  	s3 =	simm.s32 $0x108;
	s8 =	sld [smem:$0x3FB5]  }
0x2e: {  	s3 =	simm.s32 @!p0 $0x1082;
	s9 =	sld [smem:$0x3FB6]  }
0x2f: {  	lr =	sadd.s32 s0, s3;
	s0 =	sld [smem:$0x3FAD]  }
0x30: {  	s3 =	sld [smem:$0x3FB0]  }
0x31: {  	[smem:$0x3FB9] =	sst s10  }
0x32: {  	s10 =	sld [smem:$0x3FB7];
	_ =	sdelay $0x3  }
0x33: {  	p0 =	seq.s32 s10, $0x1;
	s10 =	sld [smem:$0x3FB9];
	_ =	sdelay $0x3  }
0x34: {  	[smem:$0x3FB9] =	sst s10  }
0x35: {  	s10 =	sld [smem:$0x3FB8];
	_ =	sdelay $0x3  }
0x36: {  	p1 =	seq.s32 s10, $0x1;
	s10 =	sld [smem:$0x3FB9];
	_ =	sdelay $0x3  }
0x37: {  	[smem:$0x3FB9] =	sst s10  }
0x38: {  	s10 =	sld [smem:$0x3FBA]  }
0x39: {  	_ = 	snop;
	(pc) =	sbr.ind lr, $3  }
0x3a: {  	_ = 	snop  }
0x3b: {  	_ = 	snop  }
0x3c: {  	p2 =	seq.s32 s10, $0x1;
	s10 =	sld [smem:$0x3FB9]  }
0x3d: {  	_ =	shalt  }
0x3e: {  	_ =	shalt  }
0x3f: {  	_ =	shalt  }
0x40: {  	_ =	shalt  }
0x41: {  	_ =	shalt  }
0x42: {  	_ =	shalt  }
0x43: {  	_ =	shalt  }
0x44: {  	_ =	shalt  }
0x45: {  	_ =	shalt  }
0x46: {  	_ =	shalt  }
0x47: {  	_ =	shalt  }
0x48: {  	_ =	shalt  }
0x49: {  	_ =	shalt  }
0x4a: {  	_ =	shalt  }
0x4b: {  	_ =	shalt  }
0x4c: {  	_ =	shalt  }
0x4d: {  	_ =	shalt  }
0x4e: {  	_ =	shalt  }
0x4f: {  	_ =	shalt  }
0x50: {  	_ =	shalt  }
0x51: {  	_ =	shalt  }
0x52: {  	_ =	shalt  }
0x53: {  	_ =	shalt  }
0x54: {  	_ =	shalt  }
0x55: {  	_ =	shalt  }
0x56: {  	_ =	shalt  }
0x57: {  	_ =	shalt  }
0x58: {  	_ =	shalt  }
0x59: {  	_ =	shalt  }
0x5a: {  	_ =	shalt  }
0x5b: {  	_ =	shalt  }
0x5c: {  	_ =	shalt  }
0x5d: {  	_ =	shalt  }
0x5e: {  	_ =	shalt  }
0x5f: {  	_ =	shalt  }
0x60: {  	_ =	shalt  }
0x61: {  	_ =	shalt  }
0x62: {  	_ =	shalt  }
0x63: {  	_ =	shalt  }
0x64: {  	_ =	shalt  }
0x65: {  	_ =	shalt  }
0x66: {  	_ =	shalt  }
0x67: {  	_ =	shalt  }
0x68: {  	_ =	shalt  }
0x69: {  	_ =	shalt  }
0x6a: {  	_ =	shalt  }
0x6b: {  	_ =	shalt  }
0x6c: {  	_ =	shalt  }
0x6d: {  	_ =	shalt  }
0x6e: {  	_ =	shalt  }
0x6f: {  	_ =	shalt  }
0x70: {  	_ =	shalt  }
0x71: {  	_ =	shalt  }
0x72: {  	_ =	shalt  }
0x73: {  	_ =	shalt  }
0x74: {  	_ =	shalt  }
0x75: {  	_ =	shalt  }
0x76: {  	_ =	shalt  }
0x77: {  	_ =	shalt  }
0x78: {  	_ =	shalt  }
0x79: {  	_ =	shalt  }
0x7a: {  	_ =	shalt  }
0x7b: {  	_ =	shalt  }
0x7c: {  	_ =	shalt  }
0x7d: {  	_ =	shalt  }
0x7e: {  	_ =	shalt  }
0x7f: {  	_ =	shalt  }
0x80: {  	_ =	shalt  }
0x81: {  	_ =	shalt  }
0x82: {  	_ =	shalt  }
0x83: {  	_ =	shalt  }
0x84: {  	_ =	shalt  }
0x85: {  	_ =	shalt  }
0x86: {  	_ =	shalt  }
0x87: {  	_ =	shalt  }
.Lfunc_end0:
.L_simem_size_0:
called_computation_lowered:
.L_overlay_start_0:
0x88: {  	s2 =	sld [smem:$0x3FD9]  }
0x89: {  	s3 =	sld [smem:$0x3FFE];
	_ =	sdelay $0x1  }
0x8a: {  	s1 =	srdreg.scid  }
0x8b: {  	s0 =	sand.u32 $0x1, s1  }
0x8c: {  	s14 =	sshll.u32 s0, $0xA;
	s2 =	sadd.s32 s3, s2  }
0x8d: {  	s2 =	sadd.s32 s2, s14  }
0x8e: {  	[smem:$0x3FC5] =	sst s2  }
0x8f: {  	_ = 	snop  }
0x90: {  	s2 =	sld [smem:$0x3FD0];
	_ =	sdelay $0x2  }
0x91: {  	s15 =	simm.s32 $0xA;
	s4 =	simm.s32 $0x10  }
0x92: {  	[smem:s4], [sflag:s15] =	dma.local [hbm:s2], $0x1  }
0x93: {  	_ =	swait.eq [sflag:s15], $0x1  }
0x94: {  	[sflag:s15] =	ssyncset.done $0x0  }
0x95: {  	[sflag:s15] =	ssyncadd.s32 $0xFFFFFFFF  }
0x96: {  	s16 =	sld [smem:$0x12];
	(tm) =	ssettm $0x1  }
0x97: {  	s17 =	sld [smem:$0x3FFB];
	_ =	sdelay $0x3  }
0x98: {  	_ =	strace s17  }
0x99: {  	s3 =	sld [smem:$0x3FFC];
	_ =	sdelay $0x3  }
0x9a: {  	_ =	strace s3  }
0x9b: {  	s3 =	sld [smem:$0x3FFD];
	_ =	sdelay $0x3  }
0x9c: {  	_ =	strace s3  }
0x9d: {  	_ =	strace $0x8FFFFFFF  }
0x9e: {  	s18 =	sld [smem:$0x3FDB];
	_ =	sdelay $0x1  }
0x9f: {  	s19 =	simm.s32 $_scs_section_size  }
0xa0: {  	s5 =	simm.s32 $_size__tile_overlayer_lowered;
	s6 =	simm.s32 $_tile_overlayer_lowered  }
0xa1: {  	s22 =	simm.s32 $0x1BFF;
	s21 =	sshll.u32 s6, $0x1;
	s3 =	sadd.s32 s19, s18  }
0xa2: {  	s7 =	simm.s32 $0x0;
	s20 =	sshll.u32 s5, $0x1;
	s5 =	sadd.s32 s21, s3  }
0xa3: {  	[timem:s7], [sflag:s22] =	dma.local [hbm:s5], s20  }
0xa4: {  	_ =	swait.ge [sflag:s22], s20  }
0xa5: {  	s4 =	ssub.s32 $0x0, s20;
	[sflag:s22] =	ssyncset.done $0x0  }
0xa6: {  	[sflag:s22] =	ssyncadd.s32 s4;
	_ =	sdelay $0x1  }
0xa7: {  	s23 =	simm.s32 $0x1B8B  }
0xa8: {  	_ =	swait.ge [sflag:s23], $0x1  }
0xa9: {  	[sflag:s23] =	ssyncset.done $0x0  }
0xaa: {  	s25 =	simm.s32 $0x1B8E;
	s24 =	sld [smem:$0x3FFE];
	[sflag:s23] =	ssyncadd.s32 $0xFFFFFFFF  }
0xab: {  	s26 =	simm.s32 $execute0_lowered;
	[smem:$0x3FD2] =	sst s25  }
0xac: {  	s5 =	sshll.u32 s26, $0x1;
	_ =	strace $0x80000046;
	[dreg:$0x1] =	wrdreg $0xFFFFFFFF  }
0xad: {  	s28 =	simm.s32 $_size_execute0_lowered;
	s3 =	sadd.s32 s3, s5;
	[dreg:$0x0] =	wrdreg $0x0  }
0xae: {  	s5 =	sshll.u32 s28, $0x1;
	[dreg:$0x2] =	wrdreg s3  }
0xaf: {  	[dreg:$0x3] =	wrdreg s5  }
0xb0: {  	[dreg:$0x4] =	wrdreg $0xC0  }
0xb1: {  	_ =	task [dreg:s7], $0x5FFFF  }
0xb2: {  	[dreg:$0x1] =	wrdreg $0xFFFFFFFF  }
0xb3: {  	[dreg:$0x0] =	wrdreg $0x60  }
0xb4: {  	[dreg:$0x2] =	wrdreg s24  }
0xb5: {  	[dreg:$0x3] =	wrdreg s16  }
0xb6: {  	[dreg:$0x4] =	wrdreg $0x9  }
0xb7: {  	_ =	task.clear_ibuf [dreg:s7], $0x5FFFF;
	_ =	strace $0x90000046  }
0xb8: {  	s29 =	simm.s32 $0x9;
	_ =	strace $0x80000048  }
0xb9: {  	_ =	swait.ge [sflag:s29], $0x1  }
0xba: {  	[sflag:s29] =	ssyncadd.s32 $0xFFFFFFFF  }
0xbb: {  	_ =	strace $0x90000048  }
0xbc: {  	_ =	sfence  }
0xbd: {  	s30 =	sld [smem:$0x0];
	_ =	sdelay $0x2  }
0xbe: {  	s31 =	sshll.u32 s1, $0xD;
	s1 =	sshrl.u32 s1, $0x2  }
0xbf: {  	s3 =	sand.u32 $0x4000, s31;
	s1 =	sadd.s32 s1, s30  }
0xc0: {  	s0 =	sor.u32 s3, s0;
	s1 =	sshll.u32 s1, $0x11  }
0xc1: {  	s0 =	sor.u32 s1, s0  }
0xc2: {  	s0 =	sadd.s32 $0x8F2B, s0  }
0xc3: {  	[sflag:s0] =	ssyncadd.remote.s32 $0x1  }
0xc4: {  	_ =	sfence.sel $0xFFFF  }
0xc5: {  	[dreg:$0x0] =	wrdreg $0xFFFFFFFF;
	(pc) =	sbr.abs _section_cstart, $3  }
0xc6: {  	[dreg:$0x1] =	wrdreg $0xFFFFFFFF  }
0xc7: {  	_ =	task.clear_ibuf [dreg:s7], $0x2FFFF;
	_ =	strace $0x9FFFFFFF  }
0xc8: {  	(tm) =	ssettm $0x7FFFFFFF  }
0xc9: {  	_ =	shalt  }
tec
execute0_lowered:
.L_overlay_start_1:
0x0: {  	(tag) =	ssettag $0x1  }
0x1: {  	s8 =	rddreg [dreg:$0x0]  }
0x2: {  	s1 =	srdreg.scid;
	s0 =	stileid.u32  }
0x3: {  	s3 =	rddreg [dreg:$0x1];
	s7 =	simm.s32 $0x1;
	s6 =	sand.u32 $0x1, s1  }
0x4: {  	s2 =	sshll.u32 s0, $0x1;
	s1 =	rddreg [dreg:$0x2];
	s4 =	sshll.u32 s0, $0x6  }
0x5: {  	s9 =	sor.u32 s6, s2;
	s2 =	simm.s32 $0x0;
	s4 =	sand.u32 $0x380, s4  }
0x6: {  	s10 =	ssub.s32 $0x2, s6;
	s6 =	simm.s32 $0x100;
	s5 =	sshll.u32 s9, $0x5  }
0x7: {  	[smem:$0x7FF] =	sst s2;
	s3 =	sadd.s32 s3, s4;
	s5 =	sand.u32 $0x60, s5  }
0x8: {  	_ =	strace $0x80000047;
	s4 =	sadd.s32 s5, s3;
	s3 =	simm.s32 $0x2  }
0x9: {  	[tilespmem:s2], [sflag:$0x2] =	stream.linear.gather [hbm4b:s4+s2], $0x100, $0x38;
	[tilespmem:$0x8100] =	vst v63  }
0xa: {  	s9 =	sshll.u32 s9, $0xC;
	s11 =	sshrl.u32 s10, $0x1;
	_ =	swait.ge [sflag:s3], $0x100  }
0xb: {  	s31 =	ssub.s32 s10, s11;
	s5 =	sadd.s32 $0x1400, s8;
	[sflag:s3] =	ssyncset.done $0x0  }
0xc: {  	s8 =	sadd.s32 s9, s8;
	s9 =	smax.u32 s31, $0x1;
	[sflag:s3] =	ssyncadd.s32 $0xFFFFFF00  }
0xd: {  	[tilespmem:s6], [sflag:$0x1] =	stream.indirect.gather [hbm4b:s5+s6], $0x80, s2, s6, $0xb8;
	[tilespmem:$0x8100] =	vst v63  }
0xe: {  	p0 =	sne.s32 s9, $0x1;
	_ =	swait.ge [sflag:s7], $0x8000  }
.Ltmp0:
0xf: {  	[sflag:s7] =	ssyncset.done $0x0;
	(pc) =	sbr.rel @!p0 .LBB2_2-.Ltmp0, $4  }
0x10: {  	s8 =	sadd.s32 $0x21400, s8;
	[sflag:s7] =	ssyncadd.s32 $0xFFFF8000  }
0x11: {  	[hbm4b:s8+s2] =	stream.linear.scatter [tilespmem:s6], [sflag:$0x2], $0x8000, $0x38;
	[tilespmem:$0x8100] =	vst v63  }
0x12: {  	_ =	swait.ge [sflag:s3], $0x8000  }
0x13: {  	s9 =	sadd.s32 $0xFFFFFFFF, s9;
	[sflag:s3] =	ssyncset.done $0x0  }
.LBB2_1:
0x14: {  	p0 =	sne.s32 s9, $0x1;
	s9 =	sadd.s32 $0xFFFFFFFF, s9;
	[sflag:s3] =	ssyncadd.s32 $0xFFFF8000  }
0x15: {  	[tilespmem:s2], [sflag:$0x2] =	stream.linear.gather [hbm4b:s4+s2], $0x100, $0x38;
	[tilespmem:$0x8100] =	vst v63  }
0x16: {  	_ =	swait.ge [sflag:s3], $0x100  }
0x17: {  	[sflag:s3] =	ssyncset.done $0x0  }
0x18: {  	[sflag:s3] =	ssyncadd.s32 $0xFFFFFF00  }
0x19: {  	[tilespmem:s6], [sflag:$0x1] =	stream.indirect.gather [hbm4b:s5+s6], $0x80, s2, s6, $0xb8;
	[tilespmem:$0x8100] =	vst v63  }
0x1a: {  	_ =	swait.ge [sflag:s7], $0x8000  }
.Ltmp1:
0x1b: {  	[sflag:s7] =	ssyncset.done $0x0;
	(pc) =	sbr.rel @p0 .LBB2_1-.Ltmp1, $4  }
0x1c: {  	[sflag:s7] =	ssyncadd.s32 $0xFFFF8000  }
0x1d: {  	[hbm4b:s8+s2] =	stream.linear.scatter [tilespmem:s6], [sflag:$0x2], $0x8000, $0x38;
	[tilespmem:$0x8100] =	vst v63  }
0x1e: {  	_ =	swait.ge [sflag:s3], $0x8000  }
0x1f: {  	[sflag:s3] =	ssyncset.done $0x0  }
.LBB2_2:
0x20: {  	[sflag:s3] =	ssyncadd.s32 $0xFFFF8000  }
0x21: {  	_ =	sfence.sel $0x180000  }
0x22: {  	[bflag:$0x0] =	sbarrier.arrive $0xFFFF  }
0x23: {  	p0 =	sne.s32 s0, $0x0;
	_ =	strace $0x90000047  }
0x24: {  	s0 =	sadd.s32 @!p0 $0x100000, s1;
	[bflag:$0x2] =	sbarrier.arrive $0xFFFF  }
0x25: {  	[sflag:s0] =	ssyncadd.tile.s32 @!p0 $0x1;
	_ =	shalt  }
.Lfunc_end2:
_tile_overlayer_lowered:
.L_overlay_start_2:
0x26: {  	(tag) =	ssettag $0x2  }
0x27: {  	s0 =	rddreg [dreg:$0x0];
	s2 =	stileid.u32  }
0x28: {  	s1 =	rddreg [dreg:$0x1];
	p0 =	sne.s32 s2, $0x0  }
0x29: {  	s3 =	rddreg [dreg:$0x2];
	[bflag:$0x3] =	sbarrier.arrive $0xFFFF;
	s2 =	simm.s32 @!p0 $0x1C02  }
0x2a: {  	[timem:s3], [sflag:s2] =	dma.local @!p0 [hbm:s0], s1  }
0x2b: {  	s0 =	simm.s32 @!p0 $0x2  }
0x2c: {  	_ =	swait.ge @!p0 [sflag:s0], s1  }
0x2d: {  	s1 =	ssub.s32 @!p0 $0x0, s1;
	[sflag:s0] =	ssyncset.done @!p0 $0x0  }
0x2e: {  	[sflag:s0] =	ssyncadd.s32 @!p0 s1  }
0x2f: {  	[bflag:$0x3] =	sbarrier.arrive $0xFFFF  }
0x30: {  	_ =	shalt  }

</sc_bundles>
